<compile_context>
chip_gen: v7x
topology: tpu7x:2x2x1
jax: 0.10.2.dev20260603
libtpu: 0.0.44.dev20260713+nightly
codegen_flags: <defaults>
</compile_context>

<pallas_src>
import functools

import jax
import jax.numpy as jnp
from jax import lax
from jax.experimental import pallas as pl
from jax.experimental.pallas import tpu as pltpu
from jax.experimental.pallas import tpu_sc as plsc



@functools.lru_cache(maxsize=None)
def _make_sc_part(B, N, D, B1, bpw, bpt, lanes):
    mesh = plsc.VectorSubcoreMesh(core_axis_name="c", subcore_axis_name="s")
    n_cores = 2
    nd = D // lanes

    @functools.partial(
        pl.kernel,
        mesh=mesh,
        out_type=[
            jax.ShapeDtypeStruct((B, D), jnp.float32),
            jax.ShapeDtypeStruct((B - B1, D), jnp.float32),
        ],
        scratch_types=[
            pltpu.VMEM((bpw,), jnp.int32),
            pltpu.VMEM((bpw, D), jnp.float32),
            pltpu.VMEM((N, D), jnp.float32),
            pltpu.VMEM((bpt, D), jnp.float32),
            pltpu.SemaphoreType.DMA,
        ],
    )
    def sc_part(table_hbm, idx_hbm, prev_hbm, mean_hbm,
                idx_v, rows_v, ebuf, obuf, sem):
        wid = lax.axis_index("s") * n_cores + lax.axis_index("c")
        base = wid * bpw
        pltpu.sync_copy(idx_hbm.at[pl.ds(base, bpw)], idx_v)
        lane = lax.iota(jnp.int32, lanes)
        for j in range(bpw // lanes):
            i_vec = base + j * lanes + lane
            idx_v[pl.ds(j * lanes, lanes)] = (
                i_vec * N + idx_v[pl.ds(j * lanes, lanes)]
            )
        pltpu.async_copy(table_hbm.at[idx_v], rows_v, sem).wait()
        pltpu.sync_copy(rows_v, prev_hbm.at[pl.ds(base, bpw)])

        mb = B1 + wid * bpt
        inv_n = jnp.float32(1.0 / N)

        def batch_body(i, carry):
            pltpu.sync_copy(table_hbm.at[pl.ds((mb + i) * N, N)], ebuf)

            def row_body(j, acc):
                return tuple(
                    acc[k] + ebuf[j, pl.ds(k * lanes, lanes)]
                    for k in range(nd)
                )

            acc0 = tuple(jnp.zeros((lanes,), jnp.float32) for _ in range(nd))
            acc = lax.fori_loop(0, N, row_body, acc0)
            for k in range(nd):
                obuf[i, pl.ds(k * lanes, lanes)] = acc[k] * inv_n
            return carry

        lax.fori_loop(0, bpt, batch_body, 0)
        pltpu.sync_copy(obuf, mean_hbm.at[pl.ds(wid * bpt, bpt)])

    return sc_part



def _mean_body(inv_n, emb_ref, out_ref):
    out_ref[...] = jnp.sum(emb_ref[...], axis=1) * inv_n


@functools.lru_cache(maxsize=None)
def _make_tc_mean(B1, N, D, bb):
    return pl.pallas_call(
        functools.partial(_mean_body, 1.0 / N),
        grid=(B1 // bb,),
        in_specs=[pl.BlockSpec((bb, N, D), lambda i: (i, 0, 0))],
        out_specs=pl.BlockSpec((bb, D), lambda i: (i, 0)),
        out_shape=jax.ShapeDtypeStruct((B1, D), jnp.float32),
        compiler_params=pltpu.CompilerParams(
            dimension_semantics=("arbitrary",),
        ),
    )



def _combine_body(nb1, prev_ref, mtc_ref, msc_ref, out_ref):
    d = prev_ref.shape[-1]
    i = pl.program_id(0)
    out_ref[:, :d] = prev_ref[...]
    out_ref[:, d:] = jnp.where(i < nb1, mtc_ref[...], msc_ref[...])


@functools.lru_cache(maxsize=None)
def _make_tc_combine(B, B1, D, bb):
    nb1 = B1 // bb
    return pl.pallas_call(
        functools.partial(_combine_body, nb1),
        grid=(B // bb,),
        in_specs=[
            pl.BlockSpec((bb, D), lambda i: (i, 0)),
            pl.BlockSpec((bb, D), lambda i: (jnp.minimum(i, nb1 - 1), 0)),
            pl.BlockSpec((bb, D), lambda i: (jnp.maximum(i - nb1, 0), 0)),
        ],
        out_specs=pl.BlockSpec((bb, 2 * D), lambda i: (i, 0)),
        out_shape=jax.ShapeDtypeStruct((B, 2 * D), jnp.float32),
        compiler_params=pltpu.CompilerParams(
            dimension_semantics=("arbitrary",),
        ),
    )


def kernel(embeddings, current_node):
    B, N, D = embeddings.shape
    nw, lanes = 32, 16
    B2 = 512
    B1 = B - B2
    bpw = B // nw
    bpt = B2 // nw

    table = embeddings.reshape(B * N, D)
    idx = current_node.reshape(B).astype(jnp.int32)

    prev, mean_sc = _make_sc_part(B, N, D, B1, bpw, bpt, lanes)(table, idx)
    mean_tc = _make_tc_mean(B1, N, D, 64)(embeddings)
    out = _make_tc_combine(B, B1, D, 512)(prev, mean_tc, mean_sc)
    return out.reshape(B, 1, 2 * D)

# --- scband reference (transcript-rebuilt; emitter-appended) ---
"""Pipeline reference for scband-prev-node-context-73117523247713 (READ-ONLY COPY).

The authoritative reference and input builder live on the scoring server;
editing this copy changes nothing except your own understanding.
"""

import jax, jax.numpy as jnp
import numpy as np

B, N, D = 4096, 200, 128

def setup_inputs(seed: int = 0) -> dict:
    key = jax.random.key(seed)
    k1, k2 = jax.random.split(key)
    embeddings = jax.random.normal(k1, (B, N, D), dtype=jnp.float32)
    current_node = jax.random.randint(k2, (B, 1), 0, N, dtype=jnp.int64) if jax.config.jax_enable_x64 else jax.random.randint(k2, (B, 1), 0, N, dtype=jnp.int32)
    return {"embeddings": embeddings, "current_node": current_node}


def _gather_by_index(source, index):
    # target[i, 1, :] = source[i, index[i], :]
    idx = jnp.broadcast_to(index[:, :, None], (source.shape[0], index.shape[1], source.shape[-1]))
    return jnp.take_along_axis(source, idx, axis=1)


def reference(embeddings, current_node):
    # prev_node_embedding: gather last-visited node embedding
    prev_node_embedding = _gather_by_index(embeddings, current_node)
    # state_embedding: abstract in original; concrete subclasses (AM-style) use the
    # graph embedding = mean over nodes. Used here as the canonical instantiation.
    state_embedding = jnp.mean(embeddings, axis=1, keepdims=True)
    context_embedding = jnp.concatenate((prev_node_embedding, state_embedding), axis=-1)
    return context_embedding

if __name__ == "__main__":
    import jax
    _d = setup_inputs()
    print(jax.jit(kernel)(*tuple(_d.values())))

</pallas_src>

<mosaic_0001>
#map = affine_map<(d0, d1) -> (0, 0)>
#map1 = affine_map<(d0, d1) -> (0)>
module attributes {stable_mosaic.version = 14 : i64} {
  func.func @sc_part(%arg0: i32, %arg1: i32, %arg2: memref<819200x128xf32, #tpu.memory_space<hbm>>, %arg3: memref<4096xi32, #tpu.memory_space<hbm>>, %arg4: memref<4096x128xf32, #tpu.memory_space<hbm>>, %arg5: memref<512x128xf32, #tpu.memory_space<hbm>>, %arg6: memref<128xi32, #tpu.memory_space<vmem>>, %arg7: memref<128x128xf32, #tpu.memory_space<vmem>>, %arg8: memref<200x128xf32, #tpu.memory_space<vmem>>, %arg9: memref<16x128xf32, #tpu.memory_space<vmem>>, %arg10: memref<!tpu.dma_semaphore, #tpu.memory_space<semaphore_mem>>) attributes {dimension_semantics = [#tpu.dimension_semantics<core_parallel>, #tpu.dimension_semantics<subcore_parallel>], iteration_bounds = array<i64: 2, 16>, scalar_prefetch = 0 : i64, scratch_operands = 5 : i64, tpu.core_type = #tpu.core_type<sc_vector_subcore>, window_params = [{transform_indices = #map}, {transform_indices = #map1}, {transform_indices = #map}, {transform_indices = #map}]} {
    %mul3A = arith.constant 2 : i32
    %mul3A_0 = arith.muli %arg1, %mul3A : i32
    %add3A = arith.addi %mul3A_0, %arg0 : i32
    %mul3A_1 = arith.constant 128 : i32
    %mul3A_2 = arith.muli %add3A, %mul3A_1 : i32
    "tpu.region"() ({
      %run_scoped3A = tpu.sem_alloc : memref<!tpu.dma_semaphore, #tpu.memory_space<semaphore_mem>>
      %dma_start3A_137 = tpu.memref_slice %arg3[%mul3A_2] : memref<4096xi32, #tpu.memory_space<hbm>> -> memref<128xi32, #tpu.memory_space<hbm>>
      %dma_start3A_138 = tpu.memref_slice %arg3[%mul3A_2] : memref<4096xi32, #tpu.memory_space<hbm>> -> memref<128xi32, #tpu.memory_space<hbm>>
      tpu.enqueue_dma source(%dma_start3A_138 : memref<128xi32, #tpu.memory_space<hbm>>) target(%arg6 : memref<128xi32, #tpu.memory_space<vmem>>) target_semaphore(%run_scoped3A : memref<!tpu.dma_semaphore, #tpu.memory_space<semaphore_mem>>)
      %dma_wait3A_139 = tpu.memref_slice %arg3[%mul3A_2] : memref<4096xi32, #tpu.memory_space<hbm>> -> memref<128xi32, #tpu.memory_space<hbm>>
      %dma_wait3A_140 = tpu.memref_slice %arg3[%mul3A_2] : memref<4096xi32, #tpu.memory_space<hbm>> -> memref<128xi32, #tpu.memory_space<hbm>>
      tpu.wait_dma2 semaphore(%run_scoped3A : memref<!tpu.dma_semaphore, #tpu.memory_space<semaphore_mem>>) src(%dma_wait3A_140 : memref<128xi32, #tpu.memory_space<hbm>>) dst(%arg6 : memref<128xi32, #tpu.memory_space<vmem>>)
      tpu.yield
    }) : () -> ()
    %iota3A = tpu.iota {dimensions = array<i32: 0>} : vector<16xi32>
    %add3A_3 = arith.constant 0 : i32
    %add3A_4 = arith.addi %mul3A_2, %add3A_3 : i32
    %add3A_5 = vector.broadcast %add3A_4 : i32 to vector<16xi32>
    %add3A_6 = arith.addi %add3A_5, %iota3A : vector<16xi32>
    %mul3A_7 = arith.constant 200 : i32
    %mul3A_8 = vector.broadcast %mul3A_7 : i32 to vector<16xi32>
    %mul3A_9 = arith.muli %add3A_6, %mul3A_8 : vector<16xi32>
    %get3A = arith.constant 0 : index
    %get3A_10 = tpu.vector_load %arg6[%get3A] {strides = array<i32>} : memref<128xi32, #tpu.memory_space<vmem>>, vector<16xi32>,
    %get3A_11 = vector.shape_cast %get3A_10 : vector<16xi32> to vector<16xi32>
    %add3A_12 = arith.addi %mul3A_9, %get3A_11 : vector<16xi32>
    %swap3A = arith.constant 0 : index
    %swap3A_13 = tpu.vector_load %arg6[%swap3A] {strides = array<i32>} : memref<128xi32, #tpu.memory_space<vmem>>, vector<16xi32>,
    %swap3A_14 = vector.shape_cast %swap3A_13 : vector<16xi32> to vector<16xi32>
    %swap3A_15 = vector.shape_cast %add3A_12 : vector<16xi32> to vector<16xi32>
    tpu.vector_store %arg6[%swap3A], %swap3A_15 {strides = array<i32>} : memref<128xi32, #tpu.memory_space<vmem>>, vector<16xi32>,
    %add3A_16 = arith.constant 16 : i32
    %add3A_17 = arith.addi %mul3A_2, %add3A_16 : i32
    %add3A_18 = vector.broadcast %add3A_17 : i32 to vector<16xi32>
    %add3A_19 = arith.addi %add3A_18, %iota3A : vector<16xi32>
    %mul3A_20 = arith.constant 200 : i32
    %mul3A_21 = vector.broadcast %mul3A_20 : i32 to vector<16xi32>
    %mul3A_22 = arith.muli %add3A_19, %mul3A_21 : vector<16xi32>
    %get3A_23 = arith.constant 16 : index
    %get3A_24 = tpu.vector_load %arg6[%get3A_23] {strides = array<i32>} : memref<128xi32, #tpu.memory_space<vmem>>, vector<16xi32>,
    %get3A_25 = vector.shape_cast %get3A_24 : vector<16xi32> to vector<16xi32>
    %add3A_26 = arith.addi %mul3A_22, %get3A_25 : vector<16xi32>
    %swap3A_27 = arith.constant 16 : index
    %swap3A_28 = tpu.vector_load %arg6[%swap3A_27] {strides = array<i32>} : memref<128xi32, #tpu.memory_space<vmem>>, vector<16xi32>,
    %swap3A_29 = vector.shape_cast %swap3A_28 : vector<16xi32> to vector<16xi32>
    %swap3A_30 = vector.shape_cast %add3A_26 : vector<16xi32> to vector<16xi32>
    tpu.vector_store %arg6[%swap3A_27], %swap3A_30 {strides = array<i32>} : memref<128xi32, #tpu.memory_space<vmem>>, vector<16xi32>,
    %add3A_31 = arith.constant 32 : i32
    %add3A_32 = arith.addi %mul3A_2, %add3A_31 : i32
    %add3A_33 = vector.broadcast %add3A_32 : i32 to vector<16xi32>
    %add3A_34 = arith.addi %add3A_33, %iota3A : vector<16xi32>
    %mul3A_35 = arith.constant 200 : i32
    %mul3A_36 = vector.broadcast %mul3A_35 : i32 to vector<16xi32>
    %mul3A_37 = arith.muli %add3A_34, %mul3A_36 : vector<16xi32>
    %get3A_38 = arith.constant 32 : index
    %get3A_39 = tpu.vector_load %arg6[%get3A_38] {strides = array<i32>} : memref<128xi32, #tpu.memory_space<vmem>>, vector<16xi32>,
    %get3A_40 = vector.shape_cast %get3A_39 : vector<16xi32> to vector<16xi32>
    %add3A_41 = arith.addi %mul3A_37, %get3A_40 : vector<16xi32>
    %swap3A_42 = arith.constant 32 : index
    %swap3A_43 = tpu.vector_load %arg6[%swap3A_42] {strides = array<i32>} : memref<128xi32, #tpu.memory_space<vmem>>, vector<16xi32>,
    %swap3A_44 = vector.shape_cast %swap3A_43 : vector<16xi32> to vector<16xi32>
    %swap3A_45 = vector.shape_cast %add3A_41 : vector<16xi32> to vector<16xi32>
    tpu.vector_store %arg6[%swap3A_42], %swap3A_45 {strides = array<i32>} : memref<128xi32, #tpu.memory_space<vmem>>, vector<16xi32>,
    %add3A_46 = arith.constant 48 : i32
    %add3A_47 = arith.addi %mul3A_2, %add3A_46 : i32
    %add3A_48 = vector.broadcast %add3A_47 : i32 to vector<16xi32>
    %add3A_49 = arith.addi %add3A_48, %iota3A : vector<16xi32>
    %mul3A_50 = arith.constant 200 : i32
    %mul3A_51 = vector.broadcast %mul3A_50 : i32 to vector<16xi32>
    %mul3A_52 = arith.muli %add3A_49, %mul3A_51 : vector<16xi32>
    %get3A_53 = arith.constant 48 : index
    %get3A_54 = tpu.vector_load %arg6[%get3A_53] {strides = array<i32>} : memref<128xi32, #tpu.memory_space<vmem>>, vector<16xi32>,
    %get3A_55 = vector.shape_cast %get3A_54 : vector<16xi32> to vector<16xi32>
    %add3A_56 = arith.addi %mul3A_52, %get3A_55 : vector<16xi32>
    %swap3A_57 = arith.constant 48 : index
    %swap3A_58 = tpu.vector_load %arg6[%swap3A_57] {strides = array<i32>} : memref<128xi32, #tpu.memory_space<vmem>>, vector<16xi32>,
    %swap3A_59 = vector.shape_cast %swap3A_58 : vector<16xi32> to vector<16xi32>
    %swap3A_60 = vector.shape_cast %add3A_56 : vector<16xi32> to vector<16xi32>
    tpu.vector_store %arg6[%swap3A_57], %swap3A_60 {strides = array<i32>} : memref<128xi32, #tpu.memory_space<vmem>>, vector<16xi32>,
    %add3A_61 = arith.constant 64 : i32
    %add3A_62 = arith.addi %mul3A_2, %add3A_61 : i32
    %add3A_63 = vector.broadcast %add3A_62 : i32 to vector<16xi32>
    %add3A_64 = arith.addi %add3A_63, %iota3A : vector<16xi32>
    %mul3A_65 = arith.constant 200 : i32
    %mul3A_66 = vector.broadcast %mul3A_65 : i32 to vector<16xi32>
    %mul3A_67 = arith.muli %add3A_64, %mul3A_66 : vector<16xi32>
    %get3A_68 = arith.constant 64 : index
    %get3A_69 = tpu.vector_load %arg6[%get3A_68] {strides = array<i32>} : memref<128xi32, #tpu.memory_space<vmem>>, vector<16xi32>,
    %get3A_70 = vector.shape_cast %get3A_69 : vector<16xi32> to vector<16xi32>
    %add3A_71 = arith.addi %mul3A_67, %get3A_70 : vector<16xi32>
    %swap3A_72 = arith.constant 64 : index
    %swap3A_73 = tpu.vector_load %arg6[%swap3A_72] {strides = array<i32>} : memref<128xi32, #tpu.memory_space<vmem>>, vector<16xi32>,
    %swap3A_74 = vector.shape_cast %swap3A_73 : vector<16xi32> to vector<16xi32>
    %swap3A_75 = vector.shape_cast %add3A_71 : vector<16xi32> to vector<16xi32>
    tpu.vector_store %arg6[%swap3A_72], %swap3A_75 {strides = array<i32>} : memref<128xi32, #tpu.memory_space<vmem>>, vector<16xi32>,
    %add3A_76 = arith.constant 80 : i32
    %add3A_77 = arith.addi %mul3A_2, %add3A_76 : i32
    %add3A_78 = vector.broadcast %add3A_77 : i32 to vector<16xi32>
    %add3A_79 = arith.addi %add3A_78, %iota3A : vector<16xi32>
    %mul3A_80 = arith.constant 200 : i32
    %mul3A_81 = vector.broadcast %mul3A_80 : i32 to vector<16xi32>
    %mul3A_82 = arith.muli %add3A_79, %mul3A_81 : vector<16xi32>
    %get3A_83 = arith.constant 80 : index
    %get3A_84 = tpu.vector_load %arg6[%get3A_83] {strides = array<i32>} : memref<128xi32, #tpu.memory_space<vmem>>, vector<16xi32>,
    %get3A_85 = vector.shape_cast %get3A_84 : vector<16xi32> to vector<16xi32>
    %add3A_86 = arith.addi %mul3A_82, %get3A_85 : vector<16xi32>
    %swap3A_87 = arith.constant 80 : index
    %swap3A_88 = tpu.vector_load %arg6[%swap3A_87] {strides = array<i32>} : memref<128xi32, #tpu.memory_space<vmem>>, vector<16xi32>,
    %swap3A_89 = vector.shape_cast %swap3A_88 : vector<16xi32> to vector<16xi32>
    %swap3A_90 = vector.shape_cast %add3A_86 : vector<16xi32> to vector<16xi32>
    tpu.vector_store %arg6[%swap3A_87], %swap3A_90 {strides = array<i32>} : memref<128xi32, #tpu.memory_space<vmem>>, vector<16xi32>,
    %add3A_91 = arith.constant 96 : i32
    %add3A_92 = arith.addi %mul3A_2, %add3A_91 : i32
    %add3A_93 = vector.broadcast %add3A_92 : i32 to vector<16xi32>
    %add3A_94 = arith.addi %add3A_93, %iota3A : vector<16xi32>
    %mul3A_95 = arith.constant 200 : i32
    %mul3A_96 = vector.broadcast %mul3A_95 : i32 to vector<16xi32>
    %mul3A_97 = arith.muli %add3A_94, %mul3A_96 : vector<16xi32>
    %get3A_98 = arith.constant 96 : index
    %get3A_99 = tpu.vector_load %arg6[%get3A_98] {strides = array<i32>} : memref<128xi32, #tpu.memory_space<vmem>>, vector<16xi32>,
    %get3A_100 = vector.shape_cast %get3A_99 : vector<16xi32> to vector<16xi32>
    %add3A_101 = arith.addi %mul3A_97, %get3A_100 : vector<16xi32>
    %swap3A_102 = arith.constant 96 : index
    %swap3A_103 = tpu.vector_load %arg6[%swap3A_102] {strides = array<i32>} : memref<128xi32, #tpu.memory_space<vmem>>, vector<16xi32>,
    %swap3A_104 = vector.shape_cast %swap3A_103 : vector<16xi32> to vector<16xi32>
    %swap3A_105 = vector.shape_cast %add3A_101 : vector<16xi32> to vector<16xi32>
    tpu.vector_store %arg6[%swap3A_102], %swap3A_105 {strides = array<i32>} : memref<128xi32, #tpu.memory_space<vmem>>, vector<16xi32>,
    %add3A_106 = arith.constant 112 : i32
    %add3A_107 = arith.addi %mul3A_2, %add3A_106 : i32
    %add3A_108 = vector.broadcast %add3A_107 : i32 to vector<16xi32>
    %add3A_109 = arith.addi %add3A_108, %iota3A : vector<16xi32>
    %mul3A_110 = arith.constant 200 : i32
    %mul3A_111 = vector.broadcast %mul3A_110 : i32 to vector<16xi32>
    %mul3A_112 = arith.muli %add3A_109, %mul3A_111 : vector<16xi32>
    %get3A_113 = arith.constant 112 : index
    %get3A_114 = tpu.vector_load %arg6[%get3A_113] {strides = array<i32>} : memref<128xi32, #tpu.memory_space<vmem>>, vector<16xi32>,
    %get3A_115 = vector.shape_cast %get3A_114 : vector<16xi32> to vector<16xi32>
    %add3A_116 = arith.addi %mul3A_112, %get3A_115 : vector<16xi32>
    %swap3A_117 = arith.constant 112 : index
    %swap3A_118 = tpu.vector_load %arg6[%swap3A_117] {strides = array<i32>} : memref<128xi32, #tpu.memory_space<vmem>>, vector<16xi32>,
    %swap3A_119 = vector.shape_cast %swap3A_118 : vector<16xi32> to vector<16xi32>
    %swap3A_120 = vector.shape_cast %add3A_116 : vector<16xi32> to vector<16xi32>
    tpu.vector_store %arg6[%swap3A_117], %swap3A_120 {strides = array<i32>} : memref<128xi32, #tpu.memory_space<vmem>>, vector<16xi32>,
    %dma_start3A = arith.constant 0 : i32
    %dma_start3A_121 = arith.constant 0 : i32
    %dma_start3A_122 = tpu.memref_slice %arg2[%dma_start3A, %dma_start3A_121] : memref<819200x128xf32, #tpu.memory_space<hbm>> -> memref<819200x128xf32, #tpu.memory_space<hbm>>
    tpu.enqueue_indirect_dma source(%dma_start3A_122 : memref<819200x128xf32, #tpu.memory_space<hbm>>) target(%arg7 : memref<128x128xf32, #tpu.memory_space<vmem>>) offsets(%arg6 : memref<128xi32, #tpu.memory_space<vmem>>) semaphore(%arg10 : memref<!tpu.dma_semaphore, #tpu.memory_space<semaphore_mem>>)
    %dma_wait3A = arith.constant 0 : i32
    %dma_wait3A_123 = arith.constant 0 : i32
    %dma_wait3A_124 = tpu.memref_slice %arg2[%dma_wait3A, %dma_wait3A_123] : memref<819200x128xf32, #tpu.memory_space<hbm>> -> memref<819200x128xf32, #tpu.memory_space<hbm>>
    tpu.wait_indirect_dma semaphore(%arg10 : memref<!tpu.dma_semaphore, #tpu.memory_space<semaphore_mem>>) src(%dma_wait3A_124 : memref<819200x128xf32, #tpu.memory_space<hbm>>) dst(%arg7 : memref<128x128xf32, #tpu.memory_space<vmem>>)
    "tpu.region"() ({
      %run_scoped3A = tpu.sem_alloc : memref<!tpu.dma_semaphore, #tpu.memory_space<semaphore_mem>>
      %dma_start3A_137 = arith.constant 0 : i32
      %dma_start3A_138 = tpu.memref_slice %arg4[%mul3A_2, %dma_start3A_137] : memref<4096x128xf32, #tpu.memory_space<hbm>> -> memref<128x128xf32, #tpu.memory_space<hbm>>
      %dma_start3A_139 = arith.constant 0 : i32
      %dma_start3A_140 = tpu.memref_slice %arg4[%mul3A_2, %dma_start3A_139] : memref<4096x128xf32, #tpu.memory_space<hbm>> -> memref<128x128xf32, #tpu.memory_space<hbm>>
      tpu.enqueue_dma source(%arg7 : memref<128x128xf32, #tpu.memory_space<vmem>>) target(%dma_start3A_140 : memref<128x128xf32, #tpu.memory_space<hbm>>) target_semaphore(%run_scoped3A : memref<!tpu.dma_semaphore, #tpu.memory_space<semaphore_mem>>)
      %dma_wait3A_141 = arith.constant 0 : i32
      %dma_wait3A_142 = tpu.memref_slice %arg4[%mul3A_2, %dma_wait3A_141] : memref<4096x128xf32, #tpu.memory_space<hbm>> -> memref<128x128xf32, #tpu.memory_space<hbm>>
      %dma_wait3A_143 = arith.constant 0 : i32
      %dma_wait3A_144 = tpu.memref_slice %arg4[%mul3A_2, %dma_wait3A_143] : memref<4096x128xf32, #tpu.memory_space<hbm>> -> memref<128x128xf32, #tpu.memory_space<hbm>>
      tpu.wait_dma2 semaphore(%run_scoped3A : memref<!tpu.dma_semaphore, #tpu.memory_space<semaphore_mem>>) src(%arg7 : memref<128x128xf32, #tpu.memory_space<vmem>>) dst(%dma_wait3A_144 : memref<128x128xf32, #tpu.memory_space<hbm>>)
      tpu.yield
    }) : () -> ()
    %mul3A_125 = arith.constant 16 : i32
    %mul3A_126 = arith.muli %add3A, %mul3A_125 : i32
    %add3A_127 = arith.constant 3584 : i32
    %add3A_128 = arith.addi %add3A_127, %mul3A_126 : i32
    %scan3A = arith.constant 0 : i32
    %scan3A_129 = arith.constant 5.000000e-03 : f32
    %scan3A_130 = arith.constant 0 : i32
    %scan3A_131 = arith.constant 16 : i32
    %scan3A_132 = arith.addi %scan3A_130, %scan3A_131 : i32
    %scan3A_133 = arith.constant 1 : i32
    scf.for %scan3A_137 = %scan3A_130 to %scan3A_132 step %scan3A_133  : i32 {
      %add3A_138 = arith.addi %add3A_128, %scan3A_137 : i32
      %mul3A_139 = arith.constant 200 : i32
      %mul3A_140 = arith.muli %add3A_138, %mul3A_139 : i32
      "tpu.region"() ({
        %run_scoped3A = tpu.sem_alloc : memref<!tpu.dma_semaphore, #tpu.memory_space<semaphore_mem>>
        %dma_start3A_218 = arith.constant 0 : i32
        %dma_start3A_219 = tpu.memref_slice %arg2[%mul3A_140, %dma_start3A_218] : memref<819200x128xf32, #tpu.memory_space<hbm>> -> memref<200x128xf32, #tpu.memory_space<hbm>>
        %dma_start3A_220 = arith.constant 0 : i32
        %dma_start3A_221 = tpu.memref_slice %arg2[%mul3A_140, %dma_start3A_220] : memref<819200x128xf32, #tpu.memory_space<hbm>> -> memref<200x128xf32, #tpu.memory_space<hbm>>
        tpu.enqueue_dma source(%dma_start3A_221 : memref<200x128xf32, #tpu.memory_space<hbm>>) target(%arg8 : memref<200x128xf32, #tpu.memory_space<vmem>>) target_semaphore(%run_scoped3A : memref<!tpu.dma_semaphore, #tpu.memory_space<semaphore_mem>>)
        %dma_wait3A_222 = arith.constant 0 : i32
        %dma_wait3A_223 = tpu.memref_slice %arg2[%mul3A_140, %dma_wait3A_222] : memref<819200x128xf32, #tpu.memory_space<hbm>> -> memref<200x128xf32, #tpu.memory_space<hbm>>
        %dma_wait3A_224 = arith.constant 0 : i32
        %dma_wait3A_225 = tpu.memref_slice %arg2[%mul3A_140, %dma_wait3A_224] : memref<819200x128xf32, #tpu.memory_space<hbm>> -> memref<200x128xf32, #tpu.memory_space<hbm>>
        tpu.wait_dma2 semaphore(%run_scoped3A : memref<!tpu.dma_semaphore, #tpu.memory_space<semaphore_mem>>) src(%dma_wait3A_225 : memref<200x128xf32, #tpu.memory_space<hbm>>) dst(%arg8 : memref<200x128xf32, #tpu.memory_space<vmem>>)
        tpu.yield
      }) : () -> ()
      %broadcast_in_dim3A = arith.constant 0.000000e+00 : f32
      %broadcast_in_dim3A_141 = vector.broadcast %broadcast_in_dim3A : f32 to vector<16xf32>
      %broadcast_in_dim3A_142 = arith.constant 0.000000e+00 : f32
      %broadcast_in_dim3A_143 = vector.broadcast %broadcast_in_dim3A_142 : f32 to vector<16xf32>
      %broadcast_in_dim3A_144 = arith.constant 0.000000e+00 : f32
      %broadcast_in_dim3A_145 = vector.broadcast %broadcast_in_dim3A_144 : f32 to vector<16xf32>
      %broadcast_in_dim3A_146 = arith.constant 0.000000e+00 : f32
      %broadcast_in_dim3A_147 = vector.broadcast %broadcast_in_dim3A_146 : f32 to vector<16xf32>
      %broadcast_in_dim3A_148 = arith.constant 0.000000e+00 : f32
      %broadcast_in_dim3A_149 = vector.broadcast %broadcast_in_dim3A_148 : f32 to vector<16xf32>
      %broadcast_in_dim3A_150 = arith.constant 0.000000e+00 : f32
      %broadcast_in_dim3A_151 = vector.broadcast %broadcast_in_dim3A_150 : f32 to vector<16xf32>
      %broadcast_in_dim3A_152 = arith.constant 0.000000e+00 : f32
      %broadcast_in_dim3A_153 = vector.broadcast %broadcast_in_dim3A_152 : f32 to vector<16xf32>
      %broadcast_in_dim3A_154 = arith.constant 0.000000e+00 : f32
      %broadcast_in_dim3A_155 = vector.broadcast %broadcast_in_dim3A_154 : f32 to vector<16xf32>
      %scan3A_156 = arith.constant 0 : i32
      %scan3A_157 = arith.constant 200 : i32
      %scan3A_158 = arith.addi %scan3A_156, %scan3A_157 : i32
      %scan3A_159 = arith.constant 1 : i32
      %scan3A_160:8 = scf.for %scan3A_218 = %scan3A_156 to %scan3A_158 step %scan3A_159 iter_args(%scan3A_219 = %broadcast_in_dim3A_141, %scan3A_220 = %broadcast_in_dim3A_143, %scan3A_221 = %broadcast_in_dim3A_145, %scan3A_222 = %broadcast_in_dim3A_147, %scan3A_223 = %broadcast_in_dim3A_149, %scan3A_224 = %broadcast_in_dim3A_151, %scan3A_225 = %broadcast_in_dim3A_153, %scan3A_226 = %broadcast_in_dim3A_155) -> (vector<16xf32>, vector<16xf32>, vector<16xf32>, vector<16xf32>, vector<16xf32>, vector<16xf32>, vector<16xf32>, vector<16xf32>)  : i32 {
        %get3A_227 = arith.index_cast %scan3A_218 : i32 to index
        %get3A_228 = arith.constant 0 : index
        %get3A_229 = tpu.vector_load %arg8[%get3A_227, %get3A_228] {strides = array<i32>} : memref<200x128xf32, #tpu.memory_space<vmem>>, vector<1x16xf32>,
        %get3A_230 = vector.shape_cast %get3A_229 : vector<1x16xf32> to vector<16xf32>
        %add3A_231 = arith.addf %scan3A_219, %get3A_230 : vector<16xf32>
        %get3A_232 = arith.index_cast %scan3A_218 : i32 to index
        %get3A_233 = arith.constant 16 : index
        %get3A_234 = tpu.vector_load %arg8[%get3A_232, %get3A_233] {strides = array<i32>} : memref<200x128xf32, #tpu.memory_space<vmem>>, vector<1x16xf32>,
        %get3A_235 = vector.shape_cast %get3A_234 : vector<1x16xf32> to vector<16xf32>
        %add3A_236 = arith.addf %scan3A_220, %get3A_235 : vector<16xf32>
        %get3A_237 = arith.index_cast %scan3A_218 : i32 to index
        %get3A_238 = arith.constant 32 : index
        %get3A_239 = tpu.vector_load %arg8[%get3A_237, %get3A_238] {strides = array<i32>} : memref<200x128xf32, #tpu.memory_space<vmem>>, vector<1x16xf32>,
        %get3A_240 = vector.shape_cast %get3A_239 : vector<1x16xf32> to vector<16xf32>
        %add3A_241 = arith.addf %scan3A_221, %get3A_240 : vector<16xf32>
        %get3A_242 = arith.index_cast %scan3A_218 : i32 to index
        %get3A_243 = arith.constant 48 : index
        %get3A_244 = tpu.vector_load %arg8[%get3A_242, %get3A_243] {strides = array<i32>} : memref<200x128xf32, #tpu.memory_space<vmem>>, vector<1x16xf32>,
        %get3A_245 = vector.shape_cast %get3A_244 : vector<1x16xf32> to vector<16xf32>
        %add3A_246 = arith.addf %scan3A_222, %get3A_245 : vector<16xf32>
        %get3A_247 = arith.index_cast %scan3A_218 : i32 to index
        %get3A_248 = arith.constant 64 : index
        %get3A_249 = tpu.vector_load %arg8[%get3A_247, %get3A_248] {strides = array<i32>} : memref<200x128xf32, #tpu.memory_space<vmem>>, vector<1x16xf32>,
        %get3A_250 = vector.shape_cast %get3A_249 : vector<1x16xf32> to vector<16xf32>
        %add3A_251 = arith.addf %scan3A_223, %get3A_250 : vector<16xf32>
        %get3A_252 = arith.index_cast %scan3A_218 : i32 to index
        %get3A_253 = arith.constant 80 : index
        %get3A_254 = tpu.vector_load %arg8[%get3A_252, %get3A_253] {strides = array<i32>} : memref<200x128xf32, #tpu.memory_space<vmem>>, vector<1x16xf32>,
        %get3A_255 = vector.shape_cast %get3A_254 : vector<1x16xf32> to vector<16xf32>
        %add3A_256 = arith.addf %scan3A_224, %get3A_255 : vector<16xf32>
        %get3A_257 = arith.index_cast %scan3A_218 : i32 to index
        %get3A_258 = arith.constant 96 : index
        %get3A_259 = tpu.vector_load %arg8[%get3A_257, %get3A_258] {strides = array<i32>} : memref<200x128xf32, #tpu.memory_space<vmem>>, vector<1x16xf32>,
        %get3A_260 = vector.shape_cast %get3A_259 : vector<1x16xf32> to vector<16xf32>
        %add3A_261 = arith.addf %scan3A_225, %get3A_260 : vector<16xf32>
        %get3A_262 = arith.index_cast %scan3A_218 : i32 to index
        %get3A_263 = arith.constant 112 : index
        %get3A_264 = tpu.vector_load %arg8[%get3A_262, %get3A_263] {strides = array<i32>} : memref<200x128xf32, #tpu.memory_space<vmem>>, vector<1x16xf32>,
        %get3A_265 = vector.shape_cast %get3A_264 : vector<1x16xf32> to vector<16xf32>
        %add3A_266 = arith.addf %scan3A_226, %get3A_265 : vector<16xf32>
        scf.yield %add3A_231, %add3A_236, %add3A_241, %add3A_246, %add3A_251, %add3A_256, %add3A_261, %add3A_266 : vector<16xf32>, vector<16xf32>, vector<16xf32>, vector<16xf32>, vector<16xf32>, vector<16xf32>, vector<16xf32>, vector<16xf32>
      }
      %scan3A_161 = arith.constant 200 : i32
      %mul3A_162 = vector.broadcast %scan3A_129 : f32 to vector<16xf32>
      %mul3A_163 = arith.mulf %scan3A_160#0, %mul3A_162 : vector<16xf32>
      %swap3A_164 = arith.index_cast %scan3A_137 : i32 to index
      %swap3A_165 = arith.constant 0 : index
      %swap3A_166 = tpu.vector_load %arg9[%swap3A_164, %swap3A_165] {strides = array<i32>} : memref<16x128xf32, #tpu.memory_space<vmem>>, vector<1x16xf32>,
      %swap3A_167 = vector.shape_cast %swap3A_166 : vector<1x16xf32> to vector<16xf32>
      %swap3A_168 = vector.shape_cast %mul3A_163 : vector<16xf32> to vector<1x16xf32>
      tpu.vector_store %arg9[%swap3A_164, %swap3A_165], %swap3A_168 {strides = array<i32>} : memref<16x128xf32, #tpu.memory_space<vmem>>, vector<1x16xf32>,
      %mul3A_169 = vector.broadcast %scan3A_129 : f32 to vector<16xf32>
      %mul3A_170 = arith.mulf %scan3A_160#1, %mul3A_169 : vector<16xf32>
      %swap3A_171 = arith.index_cast %scan3A_137 : i32 to index
      %swap3A_172 = arith.constant 16 : index
      %swap3A_173 = tpu.vector_load %arg9[%swap3A_171, %swap3A_172] {strides = array<i32>} : memref<16x128xf32, #tpu.memory_space<vmem>>, vector<1x16xf32>,
      %swap3A_174 = vector.shape_cast %swap3A_173 : vector<1x16xf32> to vector<16xf32>
      %swap3A_175 = vector.shape_cast %mul3A_170 : vector<16xf32> to vector<1x16xf32>
      tpu.vector_store %arg9[%swap3A_171, %swap3A_172], %swap3A_175 {strides = array<i32>} : memref<16x128xf32, #tpu.memory_space<vmem>>, vector<1x16xf32>,
      %mul3A_176 = vector.broadcast %scan3A_129 : f32 to vector<16xf32>
      %mul3A_177 = arith.mulf %scan3A_160#2, %mul3A_176 : vector<16xf32>
      %swap3A_178 = arith.index_cast %scan3A_137 : i32 to index
      %swap3A_179 = arith.constant 32 : index
      %swap3A_180 = tpu.vector_load %arg9[%swap3A_178, %swap3A_179] {strides = array<i32>} : memref<16x128xf32, #tpu.memory_space<vmem>>, vector<1x16xf32>,
      %swap3A_181 = vector.shape_cast %swap3A_180 : vector<1x16xf32> to vector<16xf32>
      %swap3A_182 = vector.shape_cast %mul3A_177 : vector<16xf32> to vector<1x16xf32>
      tpu.vector_store %arg9[%swap3A_178, %swap3A_179], %swap3A_182 {strides = array<i32>} : memref<16x128xf32, #tpu.memory_space<vmem>>, vector<1x16xf32>,
      %mul3A_183 = vector.broadcast %scan3A_129 : f32 to vector<16xf32>
      %mul3A_184 = arith.mulf %scan3A_160#3, %mul3A_183 : vector<16xf32>
      %swap3A_185 = arith.index_cast %scan3A_137 : i32 to index
      %swap3A_186 = arith.constant 48 : index
      %swap3A_187 = tpu.vector_load %arg9[%swap3A_185, %swap3A_186] {strides = array<i32>} : memref<16x128xf32, #tpu.memory_space<vmem>>, vector<1x16xf32>,
      %swap3A_188 = vector.shape_cast %swap3A_187 : vector<1x16xf32> to vector<16xf32>
      %swap3A_189 = vector.shape_cast %mul3A_184 : vector<16xf32> to vector<1x16xf32>
      tpu.vector_store %arg9[%swap3A_185, %swap3A_186], %swap3A_189 {strides = array<i32>} : memref<16x128xf32, #tpu.memory_space<vmem>>, vector<1x16xf32>,
      %mul3A_190 = vector.broadcast %scan3A_129 : f32 to vector<16xf32>
      %mul3A_191 = arith.mulf %scan3A_160#4, %mul3A_190 : vector<16xf32>
      %swap3A_192 = arith.index_cast %scan3A_137 : i32 to index
      %swap3A_193 = arith.constant 64 : index
      %swap3A_194 = tpu.vector_load %arg9[%swap3A_192, %swap3A_193] {strides = array<i32>} : memref<16x128xf32, #tpu.memory_space<vmem>>, vector<1x16xf32>,
      %swap3A_195 = vector.shape_cast %swap3A_194 : vector<1x16xf32> to vector<16xf32>
      %swap3A_196 = vector.shape_cast %mul3A_191 : vector<16xf32> to vector<1x16xf32>
      tpu.vector_store %arg9[%swap3A_192, %swap3A_193], %swap3A_196 {strides = array<i32>} : memref<16x128xf32, #tpu.memory_space<vmem>>, vector<1x16xf32>,
      %mul3A_197 = vector.broadcast %scan3A_129 : f32 to vector<16xf32>
      %mul3A_198 = arith.mulf %scan3A_160#5, %mul3A_197 : vector<16xf32>
      %swap3A_199 = arith.index_cast %scan3A_137 : i32 to index
      %swap3A_200 = arith.constant 80 : index
      %swap3A_201 = tpu.vector_load %arg9[%swap3A_199, %swap3A_200] {strides = array<i32>} : memref<16x128xf32, #tpu.memory_space<vmem>>, vector<1x16xf32>,
      %swap3A_202 = vector.shape_cast %swap3A_201 : vector<1x16xf32> to vector<16xf32>
      %swap3A_203 = vector.shape_cast %mul3A_198 : vector<16xf32> to vector<1x16xf32>
      tpu.vector_store %arg9[%swap3A_199, %swap3A_200], %swap3A_203 {strides = array<i32>} : memref<16x128xf32, #tpu.memory_space<vmem>>, vector<1x16xf32>,
      %mul3A_204 = vector.broadcast %scan3A_129 : f32 to vector<16xf32>
      %mul3A_205 = arith.mulf %scan3A_160#6, %mul3A_204 : vector<16xf32>
      %swap3A_206 = arith.index_cast %scan3A_137 : i32 to index
      %swap3A_207 = arith.constant 96 : index
      %swap3A_208 = tpu.vector_load %arg9[%swap3A_206, %swap3A_207] {strides = array<i32>} : memref<16x128xf32, #tpu.memory_space<vmem>>, vector<1x16xf32>,
      %swap3A_209 = vector.shape_cast %swap3A_208 : vector<1x16xf32> to vector<16xf32>
      %swap3A_210 = vector.shape_cast %mul3A_205 : vector<16xf32> to vector<1x16xf32>
      tpu.vector_store %arg9[%swap3A_206, %swap3A_207], %swap3A_210 {strides = array<i32>} : memref<16x128xf32, #tpu.memory_space<vmem>>, vector<1x16xf32>,
      %mul3A_211 = vector.broadcast %scan3A_129 : f32 to vector<16xf32>
      %mul3A_212 = arith.mulf %scan3A_160#7, %mul3A_211 : vector<16xf32>
      %swap3A_213 = arith.index_cast %scan3A_137 : i32 to index
      %swap3A_214 = arith.constant 112 : index
      %swap3A_215 = tpu.vector_load %arg9[%swap3A_213, %swap3A_214] {strides = array<i32>} : memref<16x128xf32, #tpu.memory_space<vmem>>, vector<1x16xf32>,
      %swap3A_216 = vector.shape_cast %swap3A_215 : vector<1x16xf32> to vector<16xf32>
      %swap3A_217 = vector.shape_cast %mul3A_212 : vector<16xf32> to vector<1x16xf32>
      tpu.vector_store %arg9[%swap3A_213, %swap3A_214], %swap3A_217 {strides = array<i32>} : memref<16x128xf32, #tpu.memory_space<vmem>>, vector<1x16xf32>,
    }
    %scan3A_134 = arith.constant 16 : i32
    %mul3A_135 = arith.constant 16 : i32
    %mul3A_136 = arith.muli %add3A, %mul3A_135 : i32
    "tpu.region"() ({
      %run_scoped3A = tpu.sem_alloc : memref<!tpu.dma_semaphore, #tpu.memory_space<semaphore_mem>>
      %dma_start3A_137 = arith.constant 0 : i32
      %dma_start3A_138 = tpu.memref_slice %arg5[%mul3A_136, %dma_start3A_137] : memref<512x128xf32, #tpu.memory_space<hbm>> -> memref<16x128xf32, #tpu.memory_space<hbm>>
      %dma_start3A_139 = arith.constant 0 : i32
      %dma_start3A_140 = tpu.memref_slice %arg5[%mul3A_136, %dma_start3A_139] : memref<512x128xf32, #tpu.memory_space<hbm>> -> memref<16x128xf32, #tpu.memory_space<hbm>>
      tpu.enqueue_dma source(%arg9 : memref<16x128xf32, #tpu.memory_space<vmem>>) target(%dma_start3A_140 : memref<16x128xf32, #tpu.memory_space<hbm>>) target_semaphore(%run_scoped3A : memref<!tpu.dma_semaphore, #tpu.memory_space<semaphore_mem>>)
      %dma_wait3A_141 = arith.constant 0 : i32
      %dma_wait3A_142 = tpu.memref_slice %arg5[%mul3A_136, %dma_wait3A_141] : memref<512x128xf32, #tpu.memory_space<hbm>> -> memref<16x128xf32, #tpu.memory_space<hbm>>
      %dma_wait3A_143 = arith.constant 0 : i32
      %dma_wait3A_144 = tpu.memref_slice %arg5[%mul3A_136, %dma_wait3A_143] : memref<512x128xf32, #tpu.memory_space<hbm>> -> memref<16x128xf32, #tpu.memory_space<hbm>>
      tpu.wait_dma2 semaphore(%run_scoped3A : memref<!tpu.dma_semaphore, #tpu.memory_space<semaphore_mem>>) src(%arg9 : memref<16x128xf32, #tpu.memory_space<vmem>>) dst(%dma_wait3A_144 : memref<16x128xf32, #tpu.memory_space<hbm>>)
      tpu.yield
    }) : () -> ()
    return
  }
}

module attributes {stable_mosaic.version = 14 : i64} {
  func.func @_mean_body(%arg0: i32, %arg1: memref<64x200x128xf32, #tpu.memory_space<vmem>>, %arg2: memref<64x128xf32, #tpu.memory_space<vmem>>) attributes {dimension_semantics = [#tpu.dimension_semantics<arbitrary>], iteration_bounds = array<i64: 56>, scalar_prefetch = 0 : i64, scratch_operands = 0 : i64, tpu.core_type = #tpu.core_type<tc>, window_params = [{transform_indices = @transform_0, window_bounds = array<i64: 64, 200, 128>}, {transform_indices = @transform_1, window_bounds = array<i64: 64, 128>}]} {
    %get3A = arith.constant 0 : index
    %get3A_0 = arith.constant 0 : index
    %get3A_1 = arith.constant 0 : index
    %get3A_2 = vector.load %arg1[%get3A, %get3A_0, %get3A_1] : memref<64x200x128xf32, #tpu.memory_space<vmem>>, vector<64x200x128xf32>
    %reduce_sum3A = arith.constant dense<0.000000e+00> : vector<64x128xf32>
    %reduce_sum3A_3 = vector.multi_reduction <add>, %get3A_2, %reduce_sum3A [1] : vector<64x200x128xf32> to vector<64x128xf32>
    %mul3A = arith.constant 5.000000e-03 : f32
    %mul3A_4 = vector.broadcast %mul3A : f32 to vector<64x128xf32>
    %mul3A_5 = arith.mulf %reduce_sum3A_3, %mul3A_4 : vector<64x128xf32>
    %swap3A = arith.constant 0 : index
    %swap3A_6 = arith.constant 0 : index
    %swap3A_7 = vector.load %arg2[%swap3A, %swap3A_6] : memref<64x128xf32, #tpu.memory_space<vmem>>, vector<64x128xf32>
    tpu.vector_store %arg2[%swap3A, %swap3A_6], %mul3A_5 {strides = array<i32>} : memref<64x128xf32, #tpu.memory_space<vmem>>, vector<64x128xf32>,
    return
  }
  func.func @transform_0(%arg0: i32) -> (i32, i32, i32) {
    %c0_i32 = arith.constant 0 : i32
    %c0_i32_0 = arith.constant 0 : i32
    %c0_i32_1 = arith.constant 0 : i32
    return %arg0, %c0_i32, %c0_i32_0 : i32, i32, i32
  }
  func.func @transform_1(%arg0: i32) -> (i32, i32) {
    %c0_i32 = arith.constant 0 : i32
    %c0_i32_0 = arith.constant 0 : i32
    return %arg0, %c0_i32 : i32, i32
  }
}

module attributes {stable_mosaic.version = 14 : i64} {
  func.func @_combine_body(%arg0: i32, %arg1: memref<512x128xf32, #tpu.memory_space<vmem>>, %arg2: memref<512x128xf32, #tpu.memory_space<vmem>>, %arg3: memref<512x128xf32, #tpu.memory_space<vmem>>, %arg4: memref<512x256xf32, #tpu.memory_space<vmem>>) attributes {dimension_semantics = [#tpu.dimension_semantics<arbitrary>], iteration_bounds = array<i64: 8>, scalar_prefetch = 0 : i64, scratch_operands = 0 : i64, tpu.core_type = #tpu.core_type<tc>, window_params = [{transform_indices = @transform_0, window_bounds = array<i64: 512, 128>}, {transform_indices = @transform_1, window_bounds = array<i64: 512, 128>}, {transform_indices = @transform_2, window_bounds = array<i64: 512, 128>}, {transform_indices = @transform_3, window_bounds = array<i64: 512, 256>}]} {
    %get3A = arith.constant 0 : index
    %get3A_0 = arith.constant 0 : index
    %get3A_1 = vector.load %arg1[%get3A, %get3A_0] : memref<512x128xf32, #tpu.memory_space<vmem>>, vector<512x128xf32>
    %swap3A = arith.constant 0 : index
    %swap3A_2 = arith.constant 0 : index
    %swap3A_3 = vector.load %arg4[%swap3A, %swap3A_2] : memref<512x256xf32, #tpu.memory_space<vmem>>, vector<512x128xf32>
    tpu.vector_store %arg4[%swap3A, %swap3A_2], %get3A_1 {strides = array<i32>} : memref<512x256xf32, #tpu.memory_space<vmem>>, vector<512x128xf32>,
    %lt3A = arith.constant 7 : i32
    %lt3A_4 = arith.cmpi slt, %arg0, %lt3A : i32
    %get3A_5 = arith.constant 0 : index
    %get3A_6 = arith.constant 0 : index
    %get3A_7 = vector.load %arg2[%get3A_5, %get3A_6] : memref<512x128xf32, #tpu.memory_space<vmem>>, vector<512x128xf32>
    %get3A_8 = arith.constant 0 : index
    %get3A_9 = arith.constant 0 : index
    %get3A_10 = vector.load %arg3[%get3A_8, %get3A_9] : memref<512x128xf32, #tpu.memory_space<vmem>>, vector<512x128xf32>
    %select_n3A = arith.select %lt3A_4, %get3A_7, %get3A_10 : vector<512x128xf32>
    %swap3A_11 = arith.constant 0 : index
    %swap3A_12 = arith.constant 128 : index
    %swap3A_13 = vector.load %arg4[%swap3A_11, %swap3A_12] : memref<512x256xf32, #tpu.memory_space<vmem>>, vector<512x128xf32>
    tpu.vector_store %arg4[%swap3A_11, %swap3A_12], %select_n3A {strides = array<i32>} : memref<512x256xf32, #tpu.memory_space<vmem>>, vector<512x128xf32>,
    return
  }
  func.func @transform_0(%arg0: i32) -> (i32, i32) {
    %c0_i32 = arith.constant 0 : i32
    %c0_i32_0 = arith.constant 0 : i32
    return %arg0, %c0_i32 : i32, i32
  }
  func.func @transform_1(%arg0: i32) -> (i32, i32) {
    %min3A = arith.constant 6 : i32
    %min3A_0 = arith.minsi %arg0, %min3A : i32
    %c0_i32 = arith.constant 0 : i32
    %c0_i32_1 = arith.constant 0 : i32
    return %min3A_0, %c0_i32 : i32, i32
  }
  func.func @transform_2(%arg0: i32) -> (i32, i32) {
    %sub3A = arith.constant 7 : i32
    %sub3A_0 = arith.subi %arg0, %sub3A : i32
    %max3A = arith.constant 0 : i32
    %max3A_1 = arith.maxsi %sub3A_0, %max3A : i32
    %c0_i32 = arith.constant 0 : i32
    %c0_i32_2 = arith.constant 0 : i32
    return %max3A_1, %c0_i32 : i32, i32
  }
  func.func @transform_3(%arg0: i32) -> (i32, i32) {
    %c0_i32 = arith.constant 0 : i32
    %c0_i32_0 = arith.constant 0 : i32
    return %arg0, %c0_i32 : i32, i32
  }
}

</mosaic_0001>

<sc_bundles>
// kernel: kernel.5.cloned.1.call-start
scs
__scs_entry_jumppad:
0x0: {  	(pc) =	sbr.rel $0x88, $3  }
0x1: {  	(tag) =	ssettag $0x0;
	lr =	simm.s32 $0x1  }
0x2: {  	[smem:$0x3F9F] =	sst lr;
	_ =	strace $0xD0000000  }
0x3: {  	_ = 	snop  }
0x4: {  	_ = 	snop  }
0x5: {  	_ = 	snop  }
0x6: {  	_ = 	snop  }
0x7: {  	_ = 	snop  }
__scs_overlays_trampoline_lowered:
0x8: {  	[smem:$0x3FAE] =	sst s0  }
0x9: {  	[smem:$0x3FAF] =	sst s1  }
0xa: {  	[smem:$0x3FB0] =	sst s2  }
0xb: {  	[smem:$0x3FB1] =	sst s3  }
0xc: {  	[smem:$0x3FB2] =	sst s4  }
0xd: {  	[smem:$0x3FB3] =	sst s5  }
0xe: {  	[smem:$0x3FB4] =	sst s6  }
0xf: {  	[smem:$0x3FB5] =	sst s7  }
0x10: {  	[smem:$0x3FB6] =	sst s8  }
0x11: {  	[smem:$0x3FB7] =	sst s9;
	s0 =	simm.s32 @!p0 $0x0  }
0x12: {  	s1 =	sld [smem:$0x3F9D];
	s0 =	simm.s32 @p0 $0x1  }
0x13: {  	[smem:$0x3FB8] =	sst s0;
	s0 =	simm.s32 @!p1 $0x0  }
0x14: {  	s2 =	sld [smem:$0x3F9C];
	s0 =	simm.s32 @p1 $0x1  }
0x15: {  	[smem:$0x3FB9] =	sst s0;
	s0 =	simm.s32 @!p2 $0x0  }
0x16: {  	s3 =	sld [smem:$0x3FDB];
	s0 =	simm.s32 @p2 $0x1  }
0x17: {  	s4 =	simm.s32 $0x1BF5;
	[smem:$0x3FBB] =	sst s0  }
0x18: {  	s0 =	sld [smem:$0x3F9E];
	_ =	swait.ge [sflag:s4], $0x0  }
0x19: {  	s7 =	sld [smem:$0x3F9F]  }
0x1a: {  	s8 =	sadd.s32 $0xFFFFE003, lr  }
0x1b: {  	s9 =	sadd.s32 $0xFFFFFEF7, lr;
	s5 =	simm.s32 $0xFFFFFFFF;
	p2 =	slt.u32 s8, $0xFFFFF086  }
0x1c: {  	p1 =	slt.u32 s9, $0xF7A;
	s5 =	simm.s32 @!p2 $0x0  }
0x1d: {  	s5 =	simm.s32 @p1 $0x1;
	p0 =	seq.s32 s7, s2  }
0x1e: {  	s7 =	smul.u32 @!p0 $0xF7A, s2;
	p2 =	seq.s32 @!p0 s5, $0x0  }
0x1f: {  	s9 =	smul.u32 $0xF7A, s1;
	s8 =	simm.s32 @!p0 $0x1BF5;
	p2 =	por !p2, p0  }
0x20: {  	[sflag:s8] =	ssyncset.s32 @!p0 $0xFFFFF086;
	s6 =	sadd.s32 @!p0 s3, s7;
	s7 =	simm.s32 @!p0 $0x108  }
0x21: {  	s3 =	sadd.s32 s3, s9;
	s6 =	sadd.s32 @!p0 $0x88, s6;
	s7 =	simm.s32 @p2 $0x1082  }
0x22: {  	[simem:s7], [sflag:s8] =	dma.local @!p0 [hbm:s6], $0xF7A  }
0x23: {  	s9 =	sor.u32 $0xD0000000, s2;
	s6 =	simm.s32 $0x108;
	_ =	swait.ge @!p0 [sflag:s8], $0x0  }
0x24: {  	s3 =	sadd.s32 $0x88, s3;
	s6 =	simm.s32 @!p1 $0x1082;
	[sflag:s4] =	ssyncset.s32 $0xFFFFF086  }
0x25: {  	[simem:s6], [sflag:s4] =	dma.local [hbm:s3], $0xF7A  }
0x26: {  	[smem:$0x3F9F] =	sst s1;
	(tag) =	ssettag s2;
	_ =	strace s9  }
0x27: {  	s1 =	sld [smem:$0x3FAF]  }
0x28: {  	s2 =	sld [smem:$0x3FB0]  }
0x29: {  	s4 =	sld [smem:$0x3FB2]  }
0x2a: {  	p0 =	seq.s32 s5, $0x0;
	s5 =	sld [smem:$0x3FB3]  }
0x2b: {  	s6 =	sld [smem:$0x3FB4]  }
0x2c: {  	s7 =	sld [smem:$0x3FB5]  }
0x2d: {  	s3 =	simm.s32 $0x108;
	s8 =	sld [smem:$0x3FB6]  }
0x2e: {  	s3 =	simm.s32 @!p0 $0x1082;
	s9 =	sld [smem:$0x3FB7]  }
0x2f: {  	lr =	sadd.s32 s0, s3;
	s0 =	sld [smem:$0x3FAE]  }
0x30: {  	s3 =	sld [smem:$0x3FB1]  }
0x31: {  	[smem:$0x3FBA] =	sst s10  }
0x32: {  	s10 =	sld [smem:$0x3FB8];
	_ =	sdelay $0x3  }
0x33: {  	p0 =	seq.s32 s10, $0x1;
	s10 =	sld [smem:$0x3FBA];
	_ =	sdelay $0x3  }
0x34: {  	[smem:$0x3FBA] =	sst s10  }
0x35: {  	s10 =	sld [smem:$0x3FB9];
	_ =	sdelay $0x3  }
0x36: {  	p1 =	seq.s32 s10, $0x1;
	s10 =	sld [smem:$0x3FBA];
	_ =	sdelay $0x3  }
0x37: {  	[smem:$0x3FBA] =	sst s10  }
0x38: {  	s10 =	sld [smem:$0x3FBB]  }
0x39: {  	_ = 	snop;
	(pc) =	sbr.ind lr, $3  }
0x3a: {  	_ = 	snop  }
0x3b: {  	_ = 	snop  }
0x3c: {  	p2 =	seq.s32 s10, $0x1;
	s10 =	sld [smem:$0x3FBA]  }
0x3d: {  	_ =	shalt  }
0x3e: {  	_ =	shalt  }
0x3f: {  	_ =	shalt  }
0x40: {  	_ =	shalt  }
0x41: {  	_ =	shalt  }
0x42: {  	_ =	shalt  }
0x43: {  	_ =	shalt  }
0x44: {  	_ =	shalt  }
0x45: {  	_ =	shalt  }
0x46: {  	_ =	shalt  }
0x47: {  	_ =	shalt  }
0x48: {  	_ =	shalt  }
0x49: {  	_ =	shalt  }
0x4a: {  	_ =	shalt  }
0x4b: {  	_ =	shalt  }
0x4c: {  	_ =	shalt  }
0x4d: {  	_ =	shalt  }
0x4e: {  	_ =	shalt  }
0x4f: {  	_ =	shalt  }
0x50: {  	_ =	shalt  }
0x51: {  	_ =	shalt  }
0x52: {  	_ =	shalt  }
0x53: {  	_ =	shalt  }
0x54: {  	_ =	shalt  }
0x55: {  	_ =	shalt  }
0x56: {  	_ =	shalt  }
0x57: {  	_ =	shalt  }
0x58: {  	_ =	shalt  }
0x59: {  	_ =	shalt  }
0x5a: {  	_ =	shalt  }
0x5b: {  	_ =	shalt  }
0x5c: {  	_ =	shalt  }
0x5d: {  	_ =	shalt  }
0x5e: {  	_ =	shalt  }
0x5f: {  	_ =	shalt  }
0x60: {  	_ =	shalt  }
0x61: {  	_ =	shalt  }
0x62: {  	_ =	shalt  }
0x63: {  	_ =	shalt  }
0x64: {  	_ =	shalt  }
0x65: {  	_ =	shalt  }
0x66: {  	_ =	shalt  }
0x67: {  	_ =	shalt  }
0x68: {  	_ =	shalt  }
0x69: {  	_ =	shalt  }
0x6a: {  	_ =	shalt  }
0x6b: {  	_ =	shalt  }
0x6c: {  	_ =	shalt  }
0x6d: {  	_ =	shalt  }
0x6e: {  	_ =	shalt  }
0x6f: {  	_ =	shalt  }
0x70: {  	_ =	shalt  }
0x71: {  	_ =	shalt  }
0x72: {  	_ =	shalt  }
0x73: {  	_ =	shalt  }
0x74: {  	_ =	shalt  }
0x75: {  	_ =	shalt  }
0x76: {  	_ =	shalt  }
0x77: {  	_ =	shalt  }
0x78: {  	_ =	shalt  }
0x79: {  	_ =	shalt  }
0x7a: {  	_ =	shalt  }
0x7b: {  	_ =	shalt  }
0x7c: {  	_ =	shalt  }
0x7d: {  	_ =	shalt  }
0x7e: {  	_ =	shalt  }
0x7f: {  	_ =	shalt  }
0x80: {  	_ =	shalt  }
0x81: {  	_ =	shalt  }
0x82: {  	_ =	shalt  }
0x83: {  	_ =	shalt  }
0x84: {  	_ =	shalt  }
0x85: {  	_ =	shalt  }
0x86: {  	_ =	shalt  }
0x87: {  	_ =	shalt  }
.Lfunc_end0:
.L_simem_size_0:
called_computation_lowered:
.L_overlay_start_0:
0x88: {  	s2 =	sld [smem:$0x3FD9]  }
0x89: {  	s3 =	sld [smem:$0x3FFE];
	_ =	sdelay $0x1  }
0x8a: {  	s1 =	srdreg.scid  }
0x8b: {  	s0 =	sand.u32 $0x1, s1  }
0x8c: {  	s17 =	sshll.u32 s0, $0xA;
	s2 =	sadd.s32 s3, s2  }
0x8d: {  	s2 =	sadd.s32 s2, s17  }
0x8e: {  	[smem:$0x3FC6] =	sst s2  }
0x8f: {  	_ = 	snop  }
0x90: {  	s2 =	sld [smem:$0x3FC9]  }
0x91: {  	s18 =	sld [smem:$0x3FC8]  }
0x92: {  	s4 =	sld [smem:$0x3FD0];
	(tm) =	ssettm $0x1  }
0x93: {  	s5 =	sld [smem:$0x3FFB];
	_ =	sdelay $0x3  }
0x94: {  	_ =	strace s5  }
0x95: {  	s5 =	sld [smem:$0x3FFC];
	_ =	sdelay $0x3  }
0x96: {  	_ =	strace s5  }
0x97: {  	s5 =	sld [smem:$0x3FFD];
	_ =	sdelay $0x3  }
0x98: {  	_ =	strace s5  }
0x99: {  	_ =	strace $0x8FFFFFFF  }
0x9a: {  	s19 =	sld [smem:$0x3FDB];
	_ =	sdelay $0x1  }
0x9b: {  	s6 =	simm.s32 $_scs_section_size  }
0x9c: {  	s7 =	simm.s32 $_size__tile_overlayer_lowered;
	s8 =	simm.s32 $_tile_overlayer_lowered  }
0x9d: {  	s22 =	simm.s32 $0x1BFF;
	s21 =	sshll.u32 s8, $0x1;
	s5 =	sadd.s32 s6, s19  }
0x9e: {  	s9 =	simm.s32 $0x0;
	s20 =	sshll.u32 s7, $0x1;
	s7 =	sadd.s32 s21, s5  }
0x9f: {  	[timem:s9], [sflag:s22] =	dma.local [hbm:s7], s20  }
0xa0: {  	_ =	swait.ge [sflag:s22], s20  }
0xa1: {  	s6 =	ssub.s32 $0x0, s20;
	[sflag:s22] =	ssyncset.done $0x0  }
0xa2: {  	[sflag:s22] =	ssyncadd.s32 s6;
	_ =	sdelay $0x1  }
0xa3: {  	s23 =	simm.s32 $0x1B8B  }
0xa4: {  	_ =	swait.ge [sflag:s23], $0x1  }
0xa5: {  	[sflag:s23] =	ssyncset.done $0x0  }
0xa6: {  	s25 =	simm.s32 $0x1B8E;
	s24 =	sld [smem:$0x3FFE];
	[sflag:s23] =	ssyncadd.s32 $0xFFFFFFFF  }
0xa7: {  	s26 =	simm.s32 $execute0_lowered;
	[smem:$0x3FD2] =	sst s25  }
0xa8: {  	s7 =	sshll.u32 s26, $0x1;
	_ =	strace $0x80000046;
	[dreg:$0x1] =	wrdreg $0xFFFFFFFF  }
0xa9: {  	s28 =	simm.s32 $_size_execute0_lowered;
	s5 =	sadd.s32 s5, s7;
	[dreg:$0x0] =	wrdreg $0x0  }
0xaa: {  	s7 =	sshll.u32 s28, $0x1;
	[dreg:$0x2] =	wrdreg s5  }
0xab: {  	[dreg:$0x3] =	wrdreg s7  }
0xac: {  	[dreg:$0x4] =	wrdreg $0xC0  }
0xad: {  	_ =	task [dreg:s9], $0x5FFFF  }
0xae: {  	[dreg:$0x1] =	wrdreg $0xFFFFFFFF  }
0xaf: {  	[dreg:$0x0] =	wrdreg $0x60  }
0xb0: {  	[dreg:$0x2] =	wrdreg s2  }
0xb1: {  	[dreg:$0x3] =	wrdreg s18  }
0xb2: {  	[dreg:$0x4] =	wrdreg s4  }
0xb3: {  	[dreg:$0x5] =	wrdreg s24  }
0xb4: {  	[dreg:$0x6] =	wrdreg $0x9  }
0xb5: {  	_ =	task.clear_ibuf [dreg:s9], $0x7FFFF;
	_ =	strace $0x90000046  }
0xb6: {  	s29 =	simm.s32 $0x9;
	_ =	strace $0x80000048  }
0xb7: {  	_ =	swait.ge [sflag:s29], $0x1  }
0xb8: {  	[sflag:s29] =	ssyncadd.s32 $0xFFFFFFFF  }
0xb9: {  	_ =	strace $0x90000048  }
0xba: {  	_ =	sfence  }
0xbb: {  	s30 =	sld [smem:$0x0];
	_ =	sdelay $0x2  }
0xbc: {  	s31 =	sshll.u32 s1, $0xD;
	s1 =	sshrl.u32 s1, $0x2  }
0xbd: {  	s3 =	sand.u32 $0x4000, s31;
	s1 =	sadd.s32 s1, s30  }
0xbe: {  	s0 =	sor.u32 s3, s0;
	s1 =	sshll.u32 s1, $0x11  }
0xbf: {  	s0 =	sor.u32 s1, s0  }
0xc0: {  	s0 =	sadd.s32 $0x8F2B, s0  }
0xc1: {  	[sflag:s0] =	ssyncadd.remote.s32 $0x1  }
0xc2: {  	_ =	sfence.sel $0xFFFF  }
0xc3: {  	[dreg:$0x0] =	wrdreg $0xFFFFFFFF;
	(pc) =	sbr.abs _section_cstart, $3  }
0xc4: {  	[dreg:$0x1] =	wrdreg $0xFFFFFFFF  }
0xc5: {  	_ =	task.clear_ibuf [dreg:s9], $0x2FFFF;
	_ =	strace $0x9FFFFFFF  }
0xc6: {  	(tm) =	ssettm $0x7FFFFFFF  }
0xc7: {  	_ =	shalt  }
tec
execute0_lowered:
.L_overlay_start_1:
0x0: {  	(tag) =	ssettag $0x1  }
0x1: {  	s1 =	srdreg.scid;
	s0 =	stileid.u32  }
0x2: {  	s4 =	sand.u32 $0x1, s1;
	s24 =	sshll.u32 s0, $0x1  }
0x3: {  	s6 =	sor.u32 s4, s24  }
0x4: {  	s5 =	sshll.u32 s6, $0x7  }
0x5: {  	s7 =	rddreg [dreg:$0x1];
	v3 =	vlaneseq.u32;
	s2 =	sor.u32 $0x10, s5;
	v0 =	vmov s5  }
0x6: {  	v7 =	vmul.u32 $0xC8, v3;
	s25 =	sor.u32 $0x20, s5;
	s10 =	sor.u32 $0x30, s5;
	s11 =	sor.u32 $0x40, s5;
	v1 =	vmov s2;
	v0 =	vmul.u32 $0xC8, v0  }
0x7: {  	s26 =	sor.u32 $0x50, s5;
	s28 =	sor.u32 $0x60, s5;
	s5 =	sor.u32 $0x70, s5;
	v2 =	vmov s25;
	v3 =	vmov s10;
	v4 =	vmov s11  }
0x8: {  	s8 =	rddreg [dreg:$0x2];
	v5 =	vmov s26;
	v6 =	vmov s28;
	v8 =	vmov s5  }
0x9: {  	s9 =	rddreg [dreg:$0x3];
	s3 =	simm.s32 $0x0;
	s13 =	simm.s32 $0xA480;
	v1 =	vmul.u32 $0xC8, v1;
	v2 =	vmul.u32 $0xC8, v2;
	v3 =	vmul.u32 $0xC8, v3  }
0xa: {  	s14 =	simm.s32 $0x0;
	s18 =	simm.s32 $0x0;
	s1 =	rddreg [dreg:$0x0];
	v4 =	vmul.u32 $0xC8, v4;
	v5 =	vmul.u32 $0xC8, v5;
	v0 =	vbroadcast v0, $0x0  }
0xb: {  	[smem:$0x7FF] =	sst s3;
	s12 =	ssub.s32 $0x2, s4;
	s29 =	sshll.u32 s6, $0x8;
	v6 =	vmul.u32 $0xC8, v6;
	v1 =	vbroadcast v1, $0x0;
	v2 =	vbroadcast v2, $0x0  }
0xc: {  	s30 =	sshrl.u32 s12, $0x1;
	s4 =	sshll.u32 s6, $0x4;
	s6 =	sshll.u32 s6, $0xB;
	v8 =	vmul.u32 $0xC8, v8;
	v3 =	vbroadcast v3, $0x0;
	v4 =	vbroadcast v4, $0x0  }
0xd: {  	s9 =	sadd.s32 s29, s9;
	s31 =	ssub.s32 s12, s30;
	s6 =	sadd.s32 s8, s6;
	v5 =	vbroadcast v5, $0x0;
	v6 =	vbroadcast v6, $0x0  }
0xe: {  	s12 =	simm.s32 $0x4080;
	s2 =	rddreg [dreg:$0x4];
	_ =	strace $0x80000047;
	v8 =	vbroadcast v8, $0x0;
	v0 =	vadd.s32 v7, v0;
	v1 =	vadd.s32 v7, v1  }
0xf: {  	s5 =	sadd.s32 s7, s4;
	s7 =	sadd.s32 $0xC00, s9;
	s8 =	smax.u32 s31, $0x1;
	v2 =	vadd.s32 v7, v2;
	v3 =	vadd.s32 v7, v3;
	v4 =	vadd.s32 v7, v4  }
0x10: {  	s9 =	simm.s32 $0x2;
	s10 =	simm.s32 $0x80;
	s11 =	simm.s32 $0x1;
	v5 =	vadd.s32 v7, v5;
	v6 =	vadd.s32 v7, v6;
	v7 =	vadd.s32 v7, v8  }
.LBB2_1:
0x11: {  	[tilespmem:s3], [sflag:$0x2] =	stream.linear.gather [hbm4b:s5+s3], $0x80, $0x38;
	[tilespmem:$0xAC80] =	vst v63  }
0x12: {  	_ =	swait.ge [sflag:s9], $0x80  }
0x13: {  	[sflag:s9] =	ssyncset.done $0x0  }
0x14: {  	[sflag:s9] =	ssyncadd.s32 $0xFFFFFF80  }
0x15: {  	v8 =	vld [tilespmem:$0x0]  }
0x16: {  	v9 =	vld [tilespmem:$0x10]  }
0x17: {  	v10 =	vld [tilespmem:$0x20]  }
0x18: {  	v11 =	vld [tilespmem:$0x30]  }
0x19: {  	v12 =	vld [tilespmem:$0x40]  }
0x1a: {  	v13 =	vld [tilespmem:$0x50];
	v8 =	vadd.s32 v8, v0  }
0x1b: {  	v62 =	vld [tilespmem:$0x60];
	[tilespmem:$0x0] =	vst v8;
	v8 =	vadd.s32 v9, v1  }
0x1c: {  	v63 =	vld [tilespmem:$0x70];
	[tilespmem:$0x10] =	vst v8;
	v8 =	vadd.s32 v10, v2  }
0x1d: {  	[tilespmem:$0x20] =	vst v8;
	v8 =	vadd.s32 v11, v3  }
0x1e: {  	[tilespmem:$0x30] =	vst v8;
	v8 =	vadd.s32 v12, v4  }
0x1f: {  	[tilespmem:$0x40] =	vst v8;
	v8 =	vadd.s32 v13, v5  }
0x20: {  	[tilespmem:$0x50] =	vst v8;
	v8 =	vadd.s32 v62, v6  }
0x21: {  	[tilespmem:$0x60] =	vst v8;
	v8 =	vadd.s32 v63, v7  }
0x22: {  	[tilespmem:$0x70] =	vst v8  }
0x23: {  	[tilespmem:s10], [sflag:$0x1] =	stream.indirect.gather [hbm4b:s1+s10], $0x80, s3, s10, $0xb8;
	[tilespmem:$0xAC80] =	vst v63  }
0x24: {  	_ =	swait.ge [sflag:s11], $0x4000  }
0x25: {  	[sflag:s11] =	ssyncset.done $0x0  }
0x26: {  	[sflag:s11] =	ssyncadd.s32 $0xFFFFC000  }
0x27: {  	[hbm4b:s6+s3] =	stream.linear.scatter [tilespmem:s10], [sflag:$0x2], $0x4000, $0x38;
	[tilespmem:$0xAC80] =	vst v63  }
0x28: {  	_ =	swait.ge [sflag:s9], $0x4000  }
0x29: {  	[sflag:s9] =	ssyncset.done $0x0  }
0x2a: {  	s15 =	simm.s32 $0x0;
	[sflag:s9] =	ssyncadd.s32 $0xFFFFC000  }
.LBB2_2:
0x2b: {  	s16 =	sadd.s32 s4, s15  }
0x2c: {  	s16 =	smul.u32 $0x6400, s16;
	_ =	sdelay $0x1  }
0x2d: {  	s16 =	sshrl.u32 s16, $0x3  }
0x2e: {  	s16 =	sadd.s32 s1, s16  }
0x2f: {  	s17 =	simm.s32 $0x0;
	s16 =	sadd.s32 $0xAF0000, s16  }
0x30: {  	[tilespmem:s12], [sflag:$0x2] =	stream.linear.gather [hbm4b:s16+s17], $0x6400, $0x38;
	[tilespmem:$0xAC80] =	vst v63  }
0x31: {  	_ =	swait.ge [sflag:s9], $0x6400  }
0x32: {  	[sflag:s9] =	ssyncset.done $0x0  }
0x33: {  	[sflag:s9] =	ssyncadd.s32 $0xFFFF9C00  }
0x34: {  	v8 =	vld [tilespmem:s18+$0x40F0]  }
0x35: {  	v9 =	vld [tilespmem:s18+$0x4080]  }
0x36: {  	v11 =	vld [tilespmem:s18+$0x4090]  }
0x37: {  	v20 =	vld [tilespmem:s18+$0x40A0]  }
0x38: {  	v19 =	vld [tilespmem:s18+$0x40B0]  }
0x39: {  	v10 =	vimm.f32 $0.0e+00;
	v15 =	vimm.f32 $0.0e+00;
	v16 =	vld [tilespmem:s18+$0x40C0]  }
0x3a: {  	v18 =	vimm.f32 $0.0e+00;
	v13 =	vld [tilespmem:s18+$0x40D0];
	v8 =	vadd.f32 v8, v10;
	v14 =	vadd.f32 v9, v10  }
0x3b: {  	s16 =	simm.s32 $0x80;
	s17 =	simm.s32 $0x400;
	v17 =	vld [tilespmem:s18+$0x40E0];
	v12 =	vadd.f32 v11, v10;
	v11 =	vimm.f32 $0.0e+00;
	v9 =	vimm.f32 $0.0e+00  }
.LBB2_3:
0x3c: {  	p0 =	sne.s32 s17, $0x18E00;
	v21 =	vld [tilespmem:s16+$0x40F0];
	v10 =	vadd.f32 v20, v10  }
0x3d: {  	v22 =	vld [tilespmem:s16+$0x4080];
	v15 =	vadd.f32 v19, v15  }
0x3e: {  	v23 =	vld [tilespmem:s16+$0x4090];
	v18 =	vadd.f32 v16, v18  }
.Ltmp0:
0x3f: {  	v20 =	vld [tilespmem:s16+$0x40A0];
	v11 =	vadd.f32 v13, v11;
	(pc) =	sbr.rel @p0 .LBB2_3-.Ltmp0, $4  }
0x40: {  	v19 =	vld [tilespmem:s16+$0x40B0];
	v9 =	vadd.f32 v17, v9  }
0x41: {  	v16 =	vld [tilespmem:s16+$0x40C0];
	v8 =	vadd.f32 v21, v8  }
0x42: {  	v14 =	vadd.f32 v22, v14;
	v13 =	vld [tilespmem:s16+$0x40D0]  }
0x43: {  	v12 =	vadd.f32 v23, v12;
	v17 =	vld [tilespmem:s16+$0x40E0];
	s16 =	sshra.s32 s17, $0x2;
	s17 =	sadd.s32 $0x200, s17  }
0x44: {  	v21 =	vld [tilespmem:s16+$0x4080]  }
0x45: {  	v22 =	vld [tilespmem:s16+$0x4090]  }
0x46: {  	v23 =	vld [tilespmem:s16+$0x40A0]  }
0x47: {  	v24 =	vld [tilespmem:s16+$0x40B0]  }
0x48: {  	v25 =	vld [tilespmem:s16+$0x40C0]  }
0x49: {  	v10 =	vadd.f32 v20, v10;
	v57 =	vld [tilespmem:s16+$0x40D0];
	v14 =	vadd.f32 v21, v14  }
0x4a: {  	v59 =	vld [tilespmem:s16+$0x40F0];
	v15 =	vadd.f32 v19, v15;
	v12 =	vadd.f32 v22, v12  }
0x4b: {  	v58 =	vld [tilespmem:s16+$0x40E0];
	s31 =	sshll.u32 s15, $0x7;
	v16 =	vadd.f32 v16, v18;
	v10 =	vadd.f32 v23, v10;
	v14 =	vmul.f32 $4.999999890e-03, v14  }
0x4c: {  	s16 =	sand.u32 $0x3FFFFF80, s31;
	v11 =	vadd.f32 v13, v11;
	v60 =	vadd.f32 v24, v15;
	v12 =	vmul.f32 $4.999999890e-03, v12  }
0x4d: {  	v61 =	vadd.f32 v25, v16;
	v10 =	vmul.f32 $4.999999890e-03, v10;
	[tilespmem:s16+$0xA480] =	vst v14  }
0x4e: {  	s15 =	sadd.s32 $0x1, s15;
	v9 =	vadd.f32 v17, v9;
	v11 =	vadd.f32 v57, v11;
	v62 =	vmul.f32 $4.999999890e-03, v60;
	[tilespmem:s16+$0xA490] =	vst v12  }
0x4f: {  	p0 =	sne.s32 s15, $0x10;
	v8 =	vadd.f32 v59, v8;
	v63 =	vmul.f32 $4.999999890e-03, v61;
	[tilespmem:s16+$0xA4A0] =	vst v10  }
.Ltmp1:
0x50: {  	v9 =	vadd.f32 v58, v9;
	v11 =	vmul.f32 $4.999999890e-03, v11;
	[tilespmem:s16+$0xA4B0] =	vst v62;
	(pc) =	sbr.rel @p0 .LBB2_2-.Ltmp1, $4  }
0x51: {  	v8 =	vmul.f32 $4.999999890e-03, v8;
	[tilespmem:s16+$0xA4C0] =	vst v63  }
0x52: {  	v9 =	vmul.f32 $4.999999890e-03, v9;
	[tilespmem:s16+$0xA4D0] =	vst v11  }
0x53: {  	[tilespmem:s16+$0xA4F0] =	vst v8  }
0x54: {  	[tilespmem:s16+$0xA4E0] =	vst v9  }
0x55: {  	s14 =	sadd.s32 $0x1, s14  }
0x56: {  	p0 =	sne.s32 s14, s8  }
.Ltmp2:
0x57: {  	_ = 	snop;
	(pc) =	sbr.rel @p0 .LBB2_1-.Ltmp2, $4  }
0x58: {  	[hbm4b:s7+s3] =	stream.linear.scatter [tilespmem:s13], [sflag:$0x2], $0x800, $0x38;
	[tilespmem:$0xAC80] =	vst v63  }
0x59: {  	_ =	swait.ge [sflag:s9], $0x800  }
0x5a: {  	[sflag:s9] =	ssyncset.done $0x0  }
0x5b: {  	[sflag:s9] =	ssyncadd.s32 $0xFFFFF800  }
0x5c: {  	_ =	sfence.sel $0x180000  }
0x5d: {  	[bflag:$0x0] =	sbarrier.arrive $0xFFFF  }
0x5e: {  	p0 =	sne.s32 s0, $0x0;
	_ =	strace $0x90000047  }
0x5f: {  	s0 =	sadd.s32 @!p0 $0x100000, s2;
	[bflag:$0x2] =	sbarrier.arrive $0xFFFF  }
0x60: {  	[sflag:s0] =	ssyncadd.tile.s32 @!p0 $0x1;
	_ =	shalt  }
.Lfunc_end2:
_tile_overlayer_lowered:
.L_overlay_start_2:
0x61: {  	(tag) =	ssettag $0x2  }
0x62: {  	s0 =	rddreg [dreg:$0x0];
	s2 =	stileid.u32  }
0x63: {  	s1 =	rddreg [dreg:$0x1];
	p0 =	sne.s32 s2, $0x0  }
0x64: {  	s3 =	rddreg [dreg:$0x2];
	[bflag:$0x3] =	sbarrier.arrive $0xFFFF;
	s2 =	simm.s32 @!p0 $0x1C02  }
0x65: {  	[timem:s3], [sflag:s2] =	dma.local @!p0 [hbm:s0], s1  }
0x66: {  	s0 =	simm.s32 @!p0 $0x2  }
0x67: {  	_ =	swait.ge @!p0 [sflag:s0], s1  }
0x68: {  	s1 =	ssub.s32 @!p0 $0x0, s1;
	[sflag:s0] =	ssyncset.done @!p0 $0x0  }
0x69: {  	[sflag:s0] =	ssyncadd.s32 @!p0 s1  }
0x6a: {  	[bflag:$0x3] =	sbarrier.arrive $0xFFFF  }
0x6b: {  	_ =	shalt  }

</sc_bundles>
